<compile_context>
chip_gen: v7x
topology: tpu7x:2x2x1
jax: 0.10.2.dev20260603
libtpu: 0.0.44.dev20260713+nightly
codegen_flags: <defaults>
</compile_context>

<pallas_src>
import functools

import jax
import jax.numpy as jnp
from jax import lax
from jax.experimental import pallas as pl
from jax.experimental.pallas import tpu as pltpu
from jax.experimental.pallas import tpu_sc as plsc

_NUM_EMB = 1024
_DIM = 64
_HW = 1024
_IMGS = 16
_ROWS = _IMGS * _HW
_COMMITMENT = 0.25

_NC, _NS, _LANES = 2, 16, 16
_NW = _NC * _NS
_RPW = _ROWS // _NW
_ZROWS = 64
_ZWORDS = _ZROWS * _NUM_EMB


def _vq_body(x_ref, xsq_ref, emb_ref, embt_ref, esq_ref,
             idx_ref, q_ref, loss_ref):
    step = pl.program_id(0)
    x = x_ref[0]
    mt = jax.lax.dot_general(emb_ref[...], x,
                             (((1,), (0,)), ((), ())),
                             preferred_element_type=jnp.float32)
    dt = (xsq_ref[0] + esq_ref[...]) - 2.0 * mt
    dmin = jnp.min(dt, axis=0, keepdims=True)
    iota = jax.lax.broadcasted_iota(jnp.int32, dt.shape, 0).astype(jnp.float32)
    cand = jnp.where(dt == dmin, iota, float(_NUM_EMB))
    idx = jnp.min(cand, axis=0, keepdims=True)
    idx_ref[0] = idx.astype(jnp.int32)
    onehot_t = jnp.where(cand == idx, 1.0, 0.0)
    q = jnp.dot(embt_ref[...], onehot_t,
                preferred_element_type=jnp.float32)
    q_ref[0] = x + (q - x)

    @pl.when(step == 0)
    def _():
        loss_ref[...] = jnp.zeros_like(loss_ref)

    loss_ref[...] += jnp.sum(dmin).reshape(1, 1)


_sc_mesh = plsc.VectorSubcoreMesh(core_axis_name="c", subcore_axis_name="s")


@functools.partial(
    pl.kernel, mesh=_sc_mesh,
    out_type=jax.ShapeDtypeStruct((_ROWS * _NUM_EMB,), jnp.float32),
    scratch_types=[
        pltpu.VMEM((_ZWORDS,), jnp.float32),
        pltpu.VMEM((_RPW,), jnp.int32),
        pltpu.VMEM((_RPW // 128, 128), jnp.int32),
        pltpu.VMEM((128,), jnp.float32),
        pltpu.SemaphoreType.DMA,
        pltpu.SemaphoreType.DMA,
    ],
)
def _sc_onehot(idx_hbm, enc_ref, zbuf, idx_v, pos_v, ones_v, zsem, ssem):
    wid = lax.axis_index("s") * _NC + lax.axis_index("c")
    base = wid * _RPW
    ebase = base * _NUM_EMB
    pltpu.sync_copy(idx_hbm.at[pl.ds(base, _RPW)], idx_v)
    lane = lax.broadcasted_iota(jnp.int32, (_LANES,), 0)

    def _zinit(i):
        zbuf[pl.ds(i * _LANES, _LANES)] = jnp.zeros((_LANES,), jnp.float32)

    pl.loop(0, _ZWORDS // _LANES)(_zinit)

    nblk = (_RPW * _NUM_EMB) // _ZWORDS
    zcopies = [
        pltpu.async_copy(zbuf, enc_ref.at[pl.ds(ebase + b * _ZWORDS, _ZWORDS)],
                         zsem)
        for b in range(nblk)
    ]

    def _mkpos(k):
        row = base + k * _LANES + lane
        pos_v[k // 8, pl.ds((k % 8) * _LANES, _LANES)] = (
            row * _NUM_EMB + idx_v[pl.ds(k * _LANES, _LANES)])

    pl.loop(0, _RPW // _LANES)(_mkpos)

    def _ones(k):
        ones_v[pl.ds(k * _LANES, _LANES)] = jnp.ones((_LANES,), jnp.float32)

    pl.loop(0, 128 // _LANES)(_ones)

    for cp in zcopies:
        cp.wait()
    scopies = [
        pltpu.async_copy(ones_v, enc_ref.at[pos_v.at[j]], ssem)
        for j in range(_RPW // 128)
    ]
    for cp in scopies:
        cp.wait()


def kernel(inputs, embedding):
    x_chw = inputs.astype(jnp.float32).reshape(_IMGS, _DIM, _HW)
    emb = embedding.astype(jnp.float32)
    flat = jnp.transpose(inputs, (0, 2, 3, 1)).reshape(-1, _DIM)
    flat = flat.astype(jnp.float32)
    xsq = jnp.sum(flat ** 2, axis=1).reshape(_IMGS, 1, _HW)
    esq = jnp.sum(emb ** 2, axis=1)[:, None]
    embt = emb.T

    idx, q, loss_sum = pl.pallas_call(
        _vq_body,
        grid=(_IMGS,),
        in_specs=[
            pl.BlockSpec((1, _DIM, _HW), lambda i: (i, 0, 0)),
            pl.BlockSpec((1, 1, _HW), lambda i: (i, 0, 0)),
            pl.BlockSpec((_NUM_EMB, _DIM), lambda i: (0, 0)),
            pl.BlockSpec((_DIM, _NUM_EMB), lambda i: (0, 0)),
            pl.BlockSpec((_NUM_EMB, 1), lambda i: (0, 0)),
        ],
        out_specs=[
            pl.BlockSpec((1, 1, _HW), lambda i: (i, 0, 0)),
            pl.BlockSpec((1, _DIM, _HW), lambda i: (i, 0, 0)),
            pl.BlockSpec((1, 1), lambda i: (0, 0)),
        ],
        out_shape=[
            jax.ShapeDtypeStruct((_IMGS, 1, _HW), jnp.int32),
            jax.ShapeDtypeStruct((_IMGS, _DIM, _HW), jnp.float32),
            jax.ShapeDtypeStruct((1, 1), jnp.float32),
        ],
    )(x_chw, xsq, emb, embt, esq)

    enc = _sc_onehot(idx.reshape(_ROWS))

    quantized = q.reshape(inputs.shape)
    loss = _COMMITMENT * (loss_sum[0, 0] / (_ROWS * _DIM))
    return (quantized, loss, enc.reshape(_ROWS, _NUM_EMB))

# --- scband reference (transcript-rebuilt; emitter-appended) ---
"""Pipeline reference for scband-vector-quantizer-ema-19146964206408 (READ-ONLY COPY).

The authoritative reference and input builder live on the scoring server;
editing this copy changes nothing except your own understanding.
"""

import jax, jax.numpy as jnp
import numpy as np

NUM_EMBEDDINGS = 1024
EMBEDDING_DIM = 64
COMMITMENT_COST = 0.25


def setup_inputs(seed: int = 0) -> dict:
    key = jax.random.key(seed)
    k1, k2 = jax.random.split(key)
    inputs = jax.random.normal(k1, (16, 64, 32, 32), dtype=jnp.float32)
    embedding = jax.random.normal(k2, (NUM_EMBEDDINGS, EMBEDDING_DIM), dtype=jnp.float32) * 0.1
    return {"inputs": inputs, "embedding": embedding}


def reference(inputs, embedding):
    # permute NCHW -> NHWC
    x = jnp.transpose(inputs, (0, 2, 3, 1))
    input_shape = x.shape
    flat_input = x.reshape(-1, EMBEDDING_DIM)
    flat_fp32 = flat_input.astype(jnp.float32)
    emb_fp32 = embedding.astype(jnp.float32)
    distances = (jnp.sum(flat_fp32 ** 2, axis=1, keepdims=True)
                 + jnp.sum(emb_fp32 ** 2, axis=1)
                 - 2.0 * jnp.matmul(flat_fp32, emb_fp32.T))
    encoding_indices = jnp.argmin(distances, axis=1)
    encodings = jax.nn.one_hot(encoding_indices, NUM_EMBEDDINGS, dtype=jnp.float32)
    quantized = jnp.matmul(encodings, embedding).reshape(input_shape)
    # note: EMA buffer updates in training mode do not affect the returned
    # outputs (embedding used for `quantized` is read before the update),
    # so the forward math here is faithful.
    e_latent_loss = jnp.mean((jax.lax.stop_gradient(quantized) - x) ** 2)
    loss = COMMITMENT_COST * e_latent_loss
    quantized = x + jax.lax.stop_gradient(quantized - x)
    quantized = jnp.transpose(quantized, (0, 3, 1, 2))
    return (quantized, loss, encodings)

if __name__ == "__main__":
    import jax
    _d = setup_inputs()
    print(jax.jit(kernel)(*tuple(_d.values())))

</pallas_src>

<mosaic_0001>
#map = affine_map<(d0, d1) -> (0)>
module attributes {stable_mosaic.version = 14 : i64} {
  func.func @_sc_onehot(%arg0: i32, %arg1: i32, %arg2: memref<16384xi32, #tpu.memory_space<hbm>>, %arg3: memref<16777216xf32, #tpu.memory_space<hbm>>, %arg4: memref<65536xf32, #tpu.memory_space<vmem>>, %arg5: memref<512xi32, #tpu.memory_space<vmem>>, %arg6: memref<4x128xi32, #tpu.memory_space<vmem>>, %arg7: memref<128xf32, #tpu.memory_space<vmem>>, %arg8: memref<!tpu.dma_semaphore, #tpu.memory_space<semaphore_mem>>, %arg9: memref<!tpu.dma_semaphore, #tpu.memory_space<semaphore_mem>>) attributes {dimension_semantics = [#tpu.dimension_semantics<core_parallel>, #tpu.dimension_semantics<subcore_parallel>], iteration_bounds = array<i64: 2, 16>, scalar_prefetch = 0 : i64, scratch_operands = 6 : i64, tpu.core_type = #tpu.core_type<sc_vector_subcore>, window_params = [{transform_indices = #map}, {transform_indices = #map}]} {
    %mul3A = arith.constant 2 : i32
    %mul3A_0 = arith.muli %arg1, %mul3A : i32
    %add3A = arith.addi %mul3A_0, %arg0 : i32
    %mul3A_1 = arith.constant 512 : i32
    %mul3A_2 = arith.muli %add3A, %mul3A_1 : i32
    %mul3A_3 = arith.constant 1024 : i32
    %mul3A_4 = arith.muli %mul3A_2, %mul3A_3 : i32
    "tpu.region"() ({
      %run_scoped3A = tpu.sem_alloc : memref<!tpu.dma_semaphore, #tpu.memory_space<semaphore_mem>>
      %dma_start3A_113 = tpu.memref_slice %arg2[%mul3A_2] : memref<16384xi32, #tpu.memory_space<hbm>> -> memref<512xi32, #tpu.memory_space<hbm>>
      %dma_start3A_114 = tpu.memref_slice %arg2[%mul3A_2] : memref<16384xi32, #tpu.memory_space<hbm>> -> memref<512xi32, #tpu.memory_space<hbm>>
      tpu.enqueue_dma source(%dma_start3A_114 : memref<512xi32, #tpu.memory_space<hbm>>) target(%arg5 : memref<512xi32, #tpu.memory_space<vmem>>) target_semaphore(%run_scoped3A : memref<!tpu.dma_semaphore, #tpu.memory_space<semaphore_mem>>)
      %dma_wait3A_115 = tpu.memref_slice %arg2[%mul3A_2] : memref<16384xi32, #tpu.memory_space<hbm>> -> memref<512xi32, #tpu.memory_space<hbm>>
      %dma_wait3A_116 = tpu.memref_slice %arg2[%mul3A_2] : memref<16384xi32, #tpu.memory_space<hbm>> -> memref<512xi32, #tpu.memory_space<hbm>>
      tpu.wait_dma2 semaphore(%run_scoped3A : memref<!tpu.dma_semaphore, #tpu.memory_space<semaphore_mem>>) src(%dma_wait3A_116 : memref<512xi32, #tpu.memory_space<hbm>>) dst(%arg5 : memref<512xi32, #tpu.memory_space<vmem>>)
      tpu.yield
    }) : () -> ()
    %iota3A = tpu.iota {dimensions = array<i32: 0>} : vector<16xi32>
    %scan3A = arith.constant 0 : i32
    %scan3A_5 = arith.constant 4096 : i32
    %scan3A_6 = arith.addi %scan3A, %scan3A_5 : i32
    %scan3A_7 = arith.constant 1 : i32
    scf.for %scan3A_113 = %scan3A to %scan3A_6 step %scan3A_7  : i32 {
      %mul3A_114 = arith.constant 1 : i32
      %mul3A_115 = arith.muli %scan3A_113, %mul3A_114 : i32
      %add3A_116 = arith.constant 0 : i32
      %add3A_117 = arith.addi %add3A_116, %mul3A_115 : i32
      %broadcast_in_dim3A = arith.constant 0.000000e+00 : f32
      %broadcast_in_dim3A_118 = vector.broadcast %broadcast_in_dim3A : f32 to vector<16xf32>
      %mul3A_119 = arith.constant 16 : i32
      %mul3A_120 = arith.muli %add3A_117, %mul3A_119 : i32
      %swap3A = arith.index_cast %mul3A_120 : i32 to index
      %swap3A_121 = tpu.vector_load %arg4[%swap3A] {strides = array<i32>} : memref<65536xf32, #tpu.memory_space<vmem>>, vector<16xf32>,
      %swap3A_122 = vector.shape_cast %swap3A_121 : vector<16xf32> to vector<16xf32>
      %swap3A_123 = vector.shape_cast %broadcast_in_dim3A_118 : vector<16xf32> to vector<16xf32>
      tpu.vector_store %arg4[%swap3A], %swap3A_123 {strides = array<i32>} : memref<65536xf32, #tpu.memory_space<vmem>>, vector<16xf32>,
    }
    %scan3A_8 = arith.constant 4096 : i32
    %add3A_9 = arith.constant 0 : i32
    %add3A_10 = arith.addi %mul3A_4, %add3A_9 : i32
    %dma_start3A = tpu.memref_slice %arg3[%add3A_10] : memref<16777216xf32, #tpu.memory_space<hbm>> -> memref<65536xf32, #tpu.memory_space<hbm>>
    %dma_start3A_11 = tpu.memref_slice %arg3[%add3A_10] : memref<16777216xf32, #tpu.memory_space<hbm>> -> memref<65536xf32, #tpu.memory_space<hbm>>
    tpu.enqueue_dma source(%arg4 : memref<65536xf32, #tpu.memory_space<vmem>>) target(%dma_start3A_11 : memref<65536xf32, #tpu.memory_space<hbm>>) target_semaphore(%arg8 : memref<!tpu.dma_semaphore, #tpu.memory_space<semaphore_mem>>)
    %add3A_12 = arith.constant 65536 : i32
    %add3A_13 = arith.addi %mul3A_4, %add3A_12 : i32
    %dma_start3A_14 = tpu.memref_slice %arg3[%add3A_13] : memref<16777216xf32, #tpu.memory_space<hbm>> -> memref<65536xf32, #tpu.memory_space<hbm>>
    %dma_start3A_15 = tpu.memref_slice %arg3[%add3A_13] : memref<16777216xf32, #tpu.memory_space<hbm>> -> memref<65536xf32, #tpu.memory_space<hbm>>
    tpu.enqueue_dma source(%arg4 : memref<65536xf32, #tpu.memory_space<vmem>>) target(%dma_start3A_15 : memref<65536xf32, #tpu.memory_space<hbm>>) target_semaphore(%arg8 : memref<!tpu.dma_semaphore, #tpu.memory_space<semaphore_mem>>)
    %add3A_16 = arith.constant 131072 : i32
    %add3A_17 = arith.addi %mul3A_4, %add3A_16 : i32
    %dma_start3A_18 = tpu.memref_slice %arg3[%add3A_17] : memref<16777216xf32, #tpu.memory_space<hbm>> -> memref<65536xf32, #tpu.memory_space<hbm>>
    %dma_start3A_19 = tpu.memref_slice %arg3[%add3A_17] : memref<16777216xf32, #tpu.memory_space<hbm>> -> memref<65536xf32, #tpu.memory_space<hbm>>
    tpu.enqueue_dma source(%arg4 : memref<65536xf32, #tpu.memory_space<vmem>>) target(%dma_start3A_19 : memref<65536xf32, #tpu.memory_space<hbm>>) target_semaphore(%arg8 : memref<!tpu.dma_semaphore, #tpu.memory_space<semaphore_mem>>)
    %add3A_20 = arith.constant 196608 : i32
    %add3A_21 = arith.addi %mul3A_4, %add3A_20 : i32
    %dma_start3A_22 = tpu.memref_slice %arg3[%add3A_21] : memref<16777216xf32, #tpu.memory_space<hbm>> -> memref<65536xf32, #tpu.memory_space<hbm>>
    %dma_start3A_23 = tpu.memref_slice %arg3[%add3A_21] : memref<16777216xf32, #tpu.memory_space<hbm>> -> memref<65536xf32, #tpu.memory_space<hbm>>
    tpu.enqueue_dma source(%arg4 : memref<65536xf32, #tpu.memory_space<vmem>>) target(%dma_start3A_23 : memref<65536xf32, #tpu.memory_space<hbm>>) target_semaphore(%arg8 : memref<!tpu.dma_semaphore, #tpu.memory_space<semaphore_mem>>)
    %add3A_24 = arith.constant 262144 : i32
    %add3A_25 = arith.addi %mul3A_4, %add3A_24 : i32
    %dma_start3A_26 = tpu.memref_slice %arg3[%add3A_25] : memref<16777216xf32, #tpu.memory_space<hbm>> -> memref<65536xf32, #tpu.memory_space<hbm>>
    %dma_start3A_27 = tpu.memref_slice %arg3[%add3A_25] : memref<16777216xf32, #tpu.memory_space<hbm>> -> memref<65536xf32, #tpu.memory_space<hbm>>
    tpu.enqueue_dma source(%arg4 : memref<65536xf32, #tpu.memory_space<vmem>>) target(%dma_start3A_27 : memref<65536xf32, #tpu.memory_space<hbm>>) target_semaphore(%arg8 : memref<!tpu.dma_semaphore, #tpu.memory_space<semaphore_mem>>)
    %add3A_28 = arith.constant 327680 : i32
    %add3A_29 = arith.addi %mul3A_4, %add3A_28 : i32
    %dma_start3A_30 = tpu.memref_slice %arg3[%add3A_29] : memref<16777216xf32, #tpu.memory_space<hbm>> -> memref<65536xf32, #tpu.memory_space<hbm>>
    %dma_start3A_31 = tpu.memref_slice %arg3[%add3A_29] : memref<16777216xf32, #tpu.memory_space<hbm>> -> memref<65536xf32, #tpu.memory_space<hbm>>
    tpu.enqueue_dma source(%arg4 : memref<65536xf32, #tpu.memory_space<vmem>>) target(%dma_start3A_31 : memref<65536xf32, #tpu.memory_space<hbm>>) target_semaphore(%arg8 : memref<!tpu.dma_semaphore, #tpu.memory_space<semaphore_mem>>)
    %add3A_32 = arith.constant 393216 : i32
    %add3A_33 = arith.addi %mul3A_4, %add3A_32 : i32
    %dma_start3A_34 = tpu.memref_slice %arg3[%add3A_33] : memref<16777216xf32, #tpu.memory_space<hbm>> -> memref<65536xf32, #tpu.memory_space<hbm>>
    %dma_start3A_35 = tpu.memref_slice %arg3[%add3A_33] : memref<16777216xf32, #tpu.memory_space<hbm>> -> memref<65536xf32, #tpu.memory_space<hbm>>
    tpu.enqueue_dma source(%arg4 : memref<65536xf32, #tpu.memory_space<vmem>>) target(%dma_start3A_35 : memref<65536xf32, #tpu.memory_space<hbm>>) target_semaphore(%arg8 : memref<!tpu.dma_semaphore, #tpu.memory_space<semaphore_mem>>)
    %add3A_36 = arith.constant 458752 : i32
    %add3A_37 = arith.addi %mul3A_4, %add3A_36 : i32
    %dma_start3A_38 = tpu.memref_slice %arg3[%add3A_37] : memref<16777216xf32, #tpu.memory_space<hbm>> -> memref<65536xf32, #tpu.memory_space<hbm>>
    %dma_start3A_39 = tpu.memref_slice %arg3[%add3A_37] : memref<16777216xf32, #tpu.memory_space<hbm>> -> memref<65536xf32, #tpu.memory_space<hbm>>
    tpu.enqueue_dma source(%arg4 : memref<65536xf32, #tpu.memory_space<vmem>>) target(%dma_start3A_39 : memref<65536xf32, #tpu.memory_space<hbm>>) target_semaphore(%arg8 : memref<!tpu.dma_semaphore, #tpu.memory_space<semaphore_mem>>)
    %scan3A_40 = arith.constant 0 : i32
    %scan3A_41 = arith.constant 32 : i32
    %scan3A_42 = arith.addi %scan3A_40, %scan3A_41 : i32
    %scan3A_43 = arith.constant 1 : i32
    scf.for %scan3A_113 = %scan3A_40 to %scan3A_42 step %scan3A_43  : i32 {
      %mul3A_114 = arith.constant 1 : i32
      %mul3A_115 = arith.muli %scan3A_113, %mul3A_114 : i32
      %add3A_116 = arith.constant 0 : i32
      %add3A_117 = arith.addi %add3A_116, %mul3A_115 : i32
      %mul3A_118 = arith.constant 16 : i32
      %mul3A_119 = arith.muli %add3A_117, %mul3A_118 : i32
      %add3A_120 = arith.addi %mul3A_2, %mul3A_119 : i32
      %add3A_121 = vector.broadcast %add3A_120 : i32 to vector<16xi32>
      %add3A_122 = arith.addi %add3A_121, %iota3A : vector<16xi32>
      %mul3A_123 = arith.constant 1024 : i32
      %mul3A_124 = vector.broadcast %mul3A_123 : i32 to vector<16xi32>
      %mul3A_125 = arith.muli %add3A_122, %mul3A_124 : vector<16xi32>
      %mul3A_126 = arith.constant 16 : i32
      %mul3A_127 = arith.muli %add3A_117, %mul3A_126 : i32
      %get3A = arith.index_cast %mul3A_127 : i32 to index
      %get3A_128 = tpu.vector_load %arg5[%get3A] {strides = array<i32>} : memref<512xi32, #tpu.memory_space<vmem>>, vector<16xi32>,
      %get3A_129 = vector.shape_cast %get3A_128 : vector<16xi32> to vector<16xi32>
      %add3A_130 = arith.addi %mul3A_125, %get3A_129 : vector<16xi32>
      %jit3A = arith.constant 8 : i32
      %div3A = arith.divsi %add3A_117, %jit3A : i32
      %sign3A = arith.constant 0 : i32
      %sign3A_131 = arith.cmpi sgt, %add3A_117, %sign3A : i32
      %sign3A_132 = arith.extui %sign3A_131 : i1 to i32
      %sign3A_133 = arith.constant 0 : i32
      %sign3A_134 = arith.cmpi slt, %add3A_117, %sign3A_133 : i32
      %sign3A_135 = arith.extui %sign3A_134 : i1 to i32
      %sign3A_136 = arith.subi %sign3A_132, %sign3A_135 : i32
      %sign3A_137 = arith.constant 0 : i32
      %sign3A_138 = arith.cmpi sgt, %jit3A, %sign3A_137 : i32
      %sign3A_139 = arith.extui %sign3A_138 : i1 to i32
      %sign3A_140 = arith.constant 0 : i32
      %sign3A_141 = arith.cmpi slt, %jit3A, %sign3A_140 : i32
      %sign3A_142 = arith.extui %sign3A_141 : i1 to i32
      %sign3A_143 = arith.subi %sign3A_139, %sign3A_142 : i32
      %ne3A = arith.cmpi ne, %sign3A_136, %sign3A_143 : i32
      %rem3A = arith.remsi %add3A_117, %jit3A : i32
      %ne3A_144 = arith.constant 0 : i32
      %ne3A_145 = arith.cmpi ne, %rem3A, %ne3A_144 : i32
      %and3A = arith.andi %ne3A, %ne3A_145 : i1
      %sub3A = arith.constant 1 : i32
      %sub3A_146 = arith.subi %div3A, %sub3A : i32
      %select_n3A = arith.select %and3A, %sub3A_146, %div3A : i32
      %jit3A_147 = arith.constant 8 : i32
      %eq3A = arith.constant 0 : i32
      %eq3A_148 = arith.cmpi eq, %jit3A_147, %eq3A : i32
      %jit3A_149 = arith.constant 1 : i32
      %select_n3A_150 = arith.select %eq3A_148, %jit3A_149, %jit3A_147 : i32
      %rem3A_151 = arith.remsi %add3A_117, %select_n3A_150 : i32
      %ne3A_152 = arith.constant 0 : i32
      %ne3A_153 = arith.cmpi ne, %rem3A_151, %ne3A_152 : i32
      %lt3A = arith.constant 0 : i32
      %lt3A_154 = arith.cmpi slt, %rem3A_151, %lt3A : i32
      %lt3A_155 = arith.constant 0 : i32
      %lt3A_156 = arith.cmpi slt, %select_n3A_150, %lt3A_155 : i32
      %ne3A_157 = arith.xori %lt3A_154, %lt3A_156 : i1
      %and3A_158 = arith.andi %ne3A_157, %ne3A_153 : i1
      %add3A_159 = arith.addi %rem3A_151, %select_n3A_150 : i32
      %select_n3A_160 = arith.select %and3A_158, %add3A_159, %rem3A_151 : i32
      %mul3A_161 = arith.constant 16 : i32
      %mul3A_162 = arith.muli %select_n3A_160, %mul3A_161 : i32
      %swap3A = arith.index_cast %select_n3A : i32 to index
      %swap3A_163 = arith.index_cast %mul3A_162 : i32 to index
      %swap3A_164 = tpu.vector_load %arg6[%swap3A, %swap3A_163] {strides = array<i32>} : memref<4x128xi32, #tpu.memory_space<vmem>>, vector<1x16xi32>,
      %swap3A_165 = vector.shape_cast %swap3A_164 : vector<1x16xi32> to vector<16xi32>
      %swap3A_166 = vector.shape_cast %add3A_130 : vector<16xi32> to vector<1x16xi32>
      tpu.vector_store %arg6[%swap3A, %swap3A_163], %swap3A_166 {strides = array<i32>} : memref<4x128xi32, #tpu.memory_space<vmem>>, vector<1x16xi32>,
    }
    %scan3A_44 = arith.constant 32 : i32
    %scan3A_45 = arith.constant 0 : i32
    %scan3A_46 = arith.constant 8 : i32
    %scan3A_47 = arith.addi %scan3A_45, %scan3A_46 : i32
    %scan3A_48 = arith.constant 1 : i32
    scf.for %scan3A_113 = %scan3A_45 to %scan3A_47 step %scan3A_48  : i32 {
      %mul3A_114 = arith.constant 1 : i32
      %mul3A_115 = arith.muli %scan3A_113, %mul3A_114 : i32
      %add3A_116 = arith.constant 0 : i32
      %add3A_117 = arith.addi %add3A_116, %mul3A_115 : i32
      %broadcast_in_dim3A = arith.constant 1.000000e+00 : f32
      %broadcast_in_dim3A_118 = vector.broadcast %broadcast_in_dim3A : f32 to vector<16xf32>
      %mul3A_119 = arith.constant 16 : i32
      %mul3A_120 = arith.muli %add3A_117, %mul3A_119 : i32
      %swap3A = arith.index_cast %mul3A_120 : i32 to index
      %swap3A_121 = tpu.vector_load %arg7[%swap3A] {strides = array<i32>} : memref<128xf32, #tpu.memory_space<vmem>>, vector<16xf32>,
      %swap3A_122 = vector.shape_cast %swap3A_121 : vector<16xf32> to vector<16xf32>
      %swap3A_123 = vector.shape_cast %broadcast_in_dim3A_118 : vector<16xf32> to vector<16xf32>
      tpu.vector_store %arg7[%swap3A], %swap3A_123 {strides = array<i32>} : memref<128xf32, #tpu.memory_space<vmem>>, vector<16xf32>,
    }
    %scan3A_49 = arith.constant 8 : i32
    %dma_wait3A = tpu.memref_slice %arg3[%add3A_10] : memref<16777216xf32, #tpu.memory_space<hbm>> -> memref<65536xf32, #tpu.memory_space<hbm>>
    %dma_wait3A_50 = tpu.memref_slice %arg3[%add3A_10] : memref<16777216xf32, #tpu.memory_space<hbm>> -> memref<65536xf32, #tpu.memory_space<hbm>>
    tpu.wait_dma2 semaphore(%arg8 : memref<!tpu.dma_semaphore, #tpu.memory_space<semaphore_mem>>) src(%arg4 : memref<65536xf32, #tpu.memory_space<vmem>>) dst(%dma_wait3A_50 : memref<65536xf32, #tpu.memory_space<hbm>>)
    %dma_wait3A_51 = tpu.memref_slice %arg3[%add3A_13] : memref<16777216xf32, #tpu.memory_space<hbm>> -> memref<65536xf32, #tpu.memory_space<hbm>>
    %dma_wait3A_52 = tpu.memref_slice %arg3[%add3A_13] : memref<16777216xf32, #tpu.memory_space<hbm>> -> memref<65536xf32, #tpu.memory_space<hbm>>
    tpu.wait_dma2 semaphore(%arg8 : memref<!tpu.dma_semaphore, #tpu.memory_space<semaphore_mem>>) src(%arg4 : memref<65536xf32, #tpu.memory_space<vmem>>) dst(%dma_wait3A_52 : memref<65536xf32, #tpu.memory_space<hbm>>)
    %dma_wait3A_53 = tpu.memref_slice %arg3[%add3A_17] : memref<16777216xf32, #tpu.memory_space<hbm>> -> memref<65536xf32, #tpu.memory_space<hbm>>
    %dma_wait3A_54 = tpu.memref_slice %arg3[%add3A_17] : memref<16777216xf32, #tpu.memory_space<hbm>> -> memref<65536xf32, #tpu.memory_space<hbm>>
    tpu.wait_dma2 semaphore(%arg8 : memref<!tpu.dma_semaphore, #tpu.memory_space<semaphore_mem>>) src(%arg4 : memref<65536xf32, #tpu.memory_space<vmem>>) dst(%dma_wait3A_54 : memref<65536xf32, #tpu.memory_space<hbm>>)
    %dma_wait3A_55 = tpu.memref_slice %arg3[%add3A_21] : memref<16777216xf32, #tpu.memory_space<hbm>> -> memref<65536xf32, #tpu.memory_space<hbm>>
    %dma_wait3A_56 = tpu.memref_slice %arg3[%add3A_21] : memref<16777216xf32, #tpu.memory_space<hbm>> -> memref<65536xf32, #tpu.memory_space<hbm>>
    tpu.wait_dma2 semaphore(%arg8 : memref<!tpu.dma_semaphore, #tpu.memory_space<semaphore_mem>>) src(%arg4 : memref<65536xf32, #tpu.memory_space<vmem>>) dst(%dma_wait3A_56 : memref<65536xf32, #tpu.memory_space<hbm>>)
    %dma_wait3A_57 = tpu.memref_slice %arg3[%add3A_25] : memref<16777216xf32, #tpu.memory_space<hbm>> -> memref<65536xf32, #tpu.memory_space<hbm>>
    %dma_wait3A_58 = tpu.memref_slice %arg3[%add3A_25] : memref<16777216xf32, #tpu.memory_space<hbm>> -> memref<65536xf32, #tpu.memory_space<hbm>>
    tpu.wait_dma2 semaphore(%arg8 : memref<!tpu.dma_semaphore, #tpu.memory_space<semaphore_mem>>) src(%arg4 : memref<65536xf32, #tpu.memory_space<vmem>>) dst(%dma_wait3A_58 : memref<65536xf32, #tpu.memory_space<hbm>>)
    %dma_wait3A_59 = tpu.memref_slice %arg3[%add3A_29] : memref<16777216xf32, #tpu.memory_space<hbm>> -> memref<65536xf32, #tpu.memory_space<hbm>>
    %dma_wait3A_60 = tpu.memref_slice %arg3[%add3A_29] : memref<16777216xf32, #tpu.memory_space<hbm>> -> memref<65536xf32, #tpu.memory_space<hbm>>
    tpu.wait_dma2 semaphore(%arg8 : memref<!tpu.dma_semaphore, #tpu.memory_space<semaphore_mem>>) src(%arg4 : memref<65536xf32, #tpu.memory_space<vmem>>) dst(%dma_wait3A_60 : memref<65536xf32, #tpu.memory_space<hbm>>)
    %dma_wait3A_61 = tpu.memref_slice %arg3[%add3A_33] : memref<16777216xf32, #tpu.memory_space<hbm>> -> memref<65536xf32, #tpu.memory_space<hbm>>
    %dma_wait3A_62 = tpu.memref_slice %arg3[%add3A_33] : memref<16777216xf32, #tpu.memory_space<hbm>> -> memref<65536xf32, #tpu.memory_space<hbm>>
    tpu.wait_dma2 semaphore(%arg8 : memref<!tpu.dma_semaphore, #tpu.memory_space<semaphore_mem>>) src(%arg4 : memref<65536xf32, #tpu.memory_space<vmem>>) dst(%dma_wait3A_62 : memref<65536xf32, #tpu.memory_space<hbm>>)
    %dma_wait3A_63 = tpu.memref_slice %arg3[%add3A_37] : memref<16777216xf32, #tpu.memory_space<hbm>> -> memref<65536xf32, #tpu.memory_space<hbm>>
    %dma_wait3A_64 = tpu.memref_slice %arg3[%add3A_37] : memref<16777216xf32, #tpu.memory_space<hbm>> -> memref<65536xf32, #tpu.memory_space<hbm>>
    tpu.wait_dma2 semaphore(%arg8 : memref<!tpu.dma_semaphore, #tpu.memory_space<semaphore_mem>>) src(%arg4 : memref<65536xf32, #tpu.memory_space<vmem>>) dst(%dma_wait3A_64 : memref<65536xf32, #tpu.memory_space<hbm>>)
    %dma_start3A_65 = arith.constant 0 : i32
    %dma_start3A_66 = arith.constant 0 : i32
    %dma_start3A_67 = tpu.memref_slice %arg6[%dma_start3A_65, %dma_start3A_66] : memref<4x128xi32, #tpu.memory_space<vmem>> -> memref<1x128xi32, #tpu.memory_space<vmem>>
    %dma_start3A_68 = tpu.memref_squeeze %dma_start3A_67 : memref<1x128xi32, #tpu.memory_space<vmem>> -> memref<128xi32, #tpu.memory_space<vmem>>
    %dma_start3A_69 = arith.constant 0 : i32
    %dma_start3A_70 = tpu.memref_slice %arg3[%dma_start3A_69] : memref<16777216xf32, #tpu.memory_space<hbm>> -> memref<16777216xf32, #tpu.memory_space<hbm>>
    tpu.enqueue_indirect_dma source(%arg7 : memref<128xf32, #tpu.memory_space<vmem>>) target(%dma_start3A_70 : memref<16777216xf32, #tpu.memory_space<hbm>>) offsets(%dma_start3A_68 : memref<128xi32, #tpu.memory_space<vmem>>) semaphore(%arg9 : memref<!tpu.dma_semaphore, #tpu.memory_space<semaphore_mem>>)
    %dma_start3A_71 = arith.constant 1 : i32
    %dma_start3A_72 = arith.constant 0 : i32
    %dma_start3A_73 = tpu.memref_slice %arg6[%dma_start3A_71, %dma_start3A_72] : memref<4x128xi32, #tpu.memory_space<vmem>> -> memref<1x128xi32, #tpu.memory_space<vmem>>
    %dma_start3A_74 = tpu.memref_squeeze %dma_start3A_73 : memref<1x128xi32, #tpu.memory_space<vmem>> -> memref<128xi32, #tpu.memory_space<vmem>>
    %dma_start3A_75 = arith.constant 0 : i32
    %dma_start3A_76 = tpu.memref_slice %arg3[%dma_start3A_75] : memref<16777216xf32, #tpu.memory_space<hbm>> -> memref<16777216xf32, #tpu.memory_space<hbm>>
    tpu.enqueue_indirect_dma source(%arg7 : memref<128xf32, #tpu.memory_space<vmem>>) target(%dma_start3A_76 : memref<16777216xf32, #tpu.memory_space<hbm>>) offsets(%dma_start3A_74 : memref<128xi32, #tpu.memory_space<vmem>>) semaphore(%arg9 : memref<!tpu.dma_semaphore, #tpu.memory_space<semaphore_mem>>)
    %dma_start3A_77 = arith.constant 2 : i32
    %dma_start3A_78 = arith.constant 0 : i32
    %dma_start3A_79 = tpu.memref_slice %arg6[%dma_start3A_77, %dma_start3A_78] : memref<4x128xi32, #tpu.memory_space<vmem>> -> memref<1x128xi32, #tpu.memory_space<vmem>>
    %dma_start3A_80 = tpu.memref_squeeze %dma_start3A_79 : memref<1x128xi32, #tpu.memory_space<vmem>> -> memref<128xi32, #tpu.memory_space<vmem>>
    %dma_start3A_81 = arith.constant 0 : i32
    %dma_start3A_82 = tpu.memref_slice %arg3[%dma_start3A_81] : memref<16777216xf32, #tpu.memory_space<hbm>> -> memref<16777216xf32, #tpu.memory_space<hbm>>
    tpu.enqueue_indirect_dma source(%arg7 : memref<128xf32, #tpu.memory_space<vmem>>) target(%dma_start3A_82 : memref<16777216xf32, #tpu.memory_space<hbm>>) offsets(%dma_start3A_80 : memref<128xi32, #tpu.memory_space<vmem>>) semaphore(%arg9 : memref<!tpu.dma_semaphore, #tpu.memory_space<semaphore_mem>>)
    %dma_start3A_83 = arith.constant 3 : i32
    %dma_start3A_84 = arith.constant 0 : i32
    %dma_start3A_85 = tpu.memref_slice %arg6[%dma_start3A_83, %dma_start3A_84] : memref<4x128xi32, #tpu.memory_space<vmem>> -> memref<1x128xi32, #tpu.memory_space<vmem>>
    %dma_start3A_86 = tpu.memref_squeeze %dma_start3A_85 : memref<1x128xi32, #tpu.memory_space<vmem>> -> memref<128xi32, #tpu.memory_space<vmem>>
    %dma_start3A_87 = arith.constant 0 : i32
    %dma_start3A_88 = tpu.memref_slice %arg3[%dma_start3A_87] : memref<16777216xf32, #tpu.memory_space<hbm>> -> memref<16777216xf32, #tpu.memory_space<hbm>>
    tpu.enqueue_indirect_dma source(%arg7 : memref<128xf32, #tpu.memory_space<vmem>>) target(%dma_start3A_88 : memref<16777216xf32, #tpu.memory_space<hbm>>) offsets(%dma_start3A_86 : memref<128xi32, #tpu.memory_space<vmem>>) semaphore(%arg9 : memref<!tpu.dma_semaphore, #tpu.memory_space<semaphore_mem>>)
    %dma_wait3A_89 = arith.constant 0 : i32
    %dma_wait3A_90 = arith.constant 0 : i32
    %dma_wait3A_91 = tpu.memref_slice %arg6[%dma_wait3A_89, %dma_wait3A_90] : memref<4x128xi32, #tpu.memory_space<vmem>> -> memref<1x128xi32, #tpu.memory_space<vmem>>
    %dma_wait3A_92 = tpu.memref_squeeze %dma_wait3A_91 : memref<1x128xi32, #tpu.memory_space<vmem>> -> memref<128xi32, #tpu.memory_space<vmem>>
    %dma_wait3A_93 = arith.constant 0 : i32
    %dma_wait3A_94 = tpu.memref_slice %arg3[%dma_wait3A_93] : memref<16777216xf32, #tpu.memory_space<hbm>> -> memref<16777216xf32, #tpu.memory_space<hbm>>
    tpu.wait_indirect_dma semaphore(%arg9 : memref<!tpu.dma_semaphore, #tpu.memory_space<semaphore_mem>>) src(%arg7 : memref<128xf32, #tpu.memory_space<vmem>>) dst(%dma_wait3A_94 : memref<16777216xf32, #tpu.memory_space<hbm>>)
    %dma_wait3A_95 = arith.constant 1 : i32
    %dma_wait3A_96 = arith.constant 0 : i32
    %dma_wait3A_97 = tpu.memref_slice %arg6[%dma_wait3A_95, %dma_wait3A_96] : memref<4x128xi32, #tpu.memory_space<vmem>> -> memref<1x128xi32, #tpu.memory_space<vmem>>
    %dma_wait3A_98 = tpu.memref_squeeze %dma_wait3A_97 : memref<1x128xi32, #tpu.memory_space<vmem>> -> memref<128xi32, #tpu.memory_space<vmem>>
    %dma_wait3A_99 = arith.constant 0 : i32
    %dma_wait3A_100 = tpu.memref_slice %arg3[%dma_wait3A_99] : memref<16777216xf32, #tpu.memory_space<hbm>> -> memref<16777216xf32, #tpu.memory_space<hbm>>
    tpu.wait_indirect_dma semaphore(%arg9 : memref<!tpu.dma_semaphore, #tpu.memory_space<semaphore_mem>>) src(%arg7 : memref<128xf32, #tpu.memory_space<vmem>>) dst(%dma_wait3A_100 : memref<16777216xf32, #tpu.memory_space<hbm>>)
    %dma_wait3A_101 = arith.constant 2 : i32
    %dma_wait3A_102 = arith.constant 0 : i32
    %dma_wait3A_103 = tpu.memref_slice %arg6[%dma_wait3A_101, %dma_wait3A_102] : memref<4x128xi32, #tpu.memory_space<vmem>> -> memref<1x128xi32, #tpu.memory_space<vmem>>
    %dma_wait3A_104 = tpu.memref_squeeze %dma_wait3A_103 : memref<1x128xi32, #tpu.memory_space<vmem>> -> memref<128xi32, #tpu.memory_space<vmem>>
    %dma_wait3A_105 = arith.constant 0 : i32
    %dma_wait3A_106 = tpu.memref_slice %arg3[%dma_wait3A_105] : memref<16777216xf32, #tpu.memory_space<hbm>> -> memref<16777216xf32, #tpu.memory_space<hbm>>
    tpu.wait_indirect_dma semaphore(%arg9 : memref<!tpu.dma_semaphore, #tpu.memory_space<semaphore_mem>>) src(%arg7 : memref<128xf32, #tpu.memory_space<vmem>>) dst(%dma_wait3A_106 : memref<16777216xf32, #tpu.memory_space<hbm>>)
    %dma_wait3A_107 = arith.constant 3 : i32
    %dma_wait3A_108 = arith.constant 0 : i32
    %dma_wait3A_109 = tpu.memref_slice %arg6[%dma_wait3A_107, %dma_wait3A_108] : memref<4x128xi32, #tpu.memory_space<vmem>> -> memref<1x128xi32, #tpu.memory_space<vmem>>
    %dma_wait3A_110 = tpu.memref_squeeze %dma_wait3A_109 : memref<1x128xi32, #tpu.memory_space<vmem>> -> memref<128xi32, #tpu.memory_space<vmem>>
    %dma_wait3A_111 = arith.constant 0 : i32
    %dma_wait3A_112 = tpu.memref_slice %arg3[%dma_wait3A_111] : memref<16777216xf32, #tpu.memory_space<hbm>> -> memref<16777216xf32, #tpu.memory_space<hbm>>
    tpu.wait_indirect_dma semaphore(%arg9 : memref<!tpu.dma_semaphore, #tpu.memory_space<semaphore_mem>>) src(%arg7 : memref<128xf32, #tpu.memory_space<vmem>>) dst(%dma_wait3A_112 : memref<16777216xf32, #tpu.memory_space<hbm>>)
    return
  }
}

module attributes {stable_mosaic.version = 14 : i64} {
  func.func @_vq_body(%arg0: i32, %arg1: memref<1x64x1024xf32, #tpu.memory_space<vmem>>, %arg2: memref<1x1x1024xf32, #tpu.memory_space<vmem>>, %arg3: memref<1024x64xf32, #tpu.memory_space<vmem>>, %arg4: memref<64x1024xf32, #tpu.memory_space<vmem>>, %arg5: memref<1024x1xf32, #tpu.memory_space<vmem>>, %arg6: memref<1x1x1024xi32, #tpu.memory_space<vmem>>, %arg7: memref<1x64x1024xf32, #tpu.memory_space<vmem>>, %arg8: memref<1x1xf32, #tpu.memory_space<vmem>>) attributes {dimension_semantics = [#tpu.dimension_semantics<arbitrary>], iteration_bounds = array<i64: 16>, scalar_prefetch = 0 : i64, scratch_operands = 0 : i64, tpu.core_type = #tpu.core_type<tc>, window_params = [{transform_indices = @transform_0, window_bounds = array<i64: 1, 64, 1024>}, {transform_indices = @transform_1, window_bounds = array<i64: 1, 1, 1024>}, {pipeline_mode = #tpu.pipeline_mode<synchronous>, transform_indices = @transform_2, window_bounds = array<i64: 1024, 64>}, {pipeline_mode = #tpu.pipeline_mode<synchronous>, transform_indices = @transform_3, window_bounds = array<i64: 64, 1024>}, {pipeline_mode = #tpu.pipeline_mode<synchronous>, transform_indices = @transform_4, window_bounds = array<i64: 1024, 1>}, {transform_indices = @transform_5, window_bounds = array<i64: 1, 1, 1024>}, {transform_indices = @transform_6, window_bounds = array<i64: 1, 64, 1024>}, {pipeline_mode = #tpu.pipeline_mode<synchronous>, transform_indices = @transform_7, window_bounds = array<i64: 1, 1>}]} {
    %get3A = arith.constant 0 : index
    %get3A_0 = arith.constant 0 : index
    %get3A_1 = arith.constant 0 : index
    %get3A_2 = vector.load %arg1[%get3A, %get3A_0, %get3A_1] : memref<1x64x1024xf32, #tpu.memory_space<vmem>>, vector<1x64x1024xf32>
    %get3A_3 = vector.shape_cast %get3A_2 : vector<1x64x1024xf32> to vector<64x1024xf32>
    %get3A_4 = arith.constant 0 : index
    %get3A_5 = arith.constant 0 : index
    %get3A_6 = vector.load %arg3[%get3A_4, %get3A_5] : memref<1024x64xf32, #tpu.memory_space<vmem>>, vector<1024x64xf32>
    %dot_general3A = arith.constant dense<0.000000e+00> : vector<1024x1024xf32>
    %dot_general3A_7 = tpu.matmul %get3A_6, %get3A_3, %dot_general3A {dimension_numbers = #tpu.dot_dimension_numbers<[1], [0], [0], [1], [0, 0, 1, 1], [], []>, transpose_lhs_hint = false} : vector<1024x64xf32>, vector<64x1024xf32>, vector<1024x1024xf32> -> vector<1024x1024xf32>
    %get3A_8 = arith.constant 0 : index
    %get3A_9 = arith.constant 0 : index
    %get3A_10 = arith.constant 0 : index
    %get3A_11 = vector.load %arg2[%get3A_8, %get3A_9, %get3A_10] : memref<1x1x1024xf32, #tpu.memory_space<vmem>>, vector<1x1x1024xf32>
    %get3A_12 = vector.shape_cast %get3A_11 : vector<1x1x1024xf32> to vector<1x1024xf32>
    %get3A_13 = arith.constant 0 : index
    %get3A_14 = arith.constant 0 : index
    %get3A_15 = vector.load %arg5[%get3A_13, %get3A_14] : memref<1024x1xf32, #tpu.memory_space<vmem>>, vector<1024x1xf32>
    %add3A = vector.broadcast %get3A_12 : vector<1x1024xf32> to vector<1024x1024xf32>
    %add3A_16 = vector.broadcast %get3A_15 : vector<1024x1xf32> to vector<1024x1024xf32>
    %add3A_17 = arith.addf %add3A, %add3A_16 : vector<1024x1024xf32>
    %mul3A = arith.constant 2.000000e+00 : f32
    %mul3A_18 = vector.broadcast %mul3A : f32 to vector<1024x1024xf32>
    %mul3A_19 = arith.mulf %mul3A_18, %dot_general3A_7 : vector<1024x1024xf32>
    %sub3A = arith.subf %add3A_17, %mul3A_19 : vector<1024x1024xf32>
    %reduce_min3A = arith.constant dense<0x7F800000> : vector<1024xf32>
    %reduce_min3A_20 = vector.multi_reduction <minimumf>, %sub3A, %reduce_min3A [0] : vector<1024x1024xf32> to vector<1024xf32>
    %broadcast_in_dim3A = vector.shape_cast %reduce_min3A_20 : vector<1024xf32> to vector<1x1024xf32>
    %iota3A = tpu.iota {dimensions = array<i32: 0>} : vector<1024x1024xi32>
    %convert_element_type3A = arith.sitofp %iota3A : vector<1024x1024xi32> to vector<1024x1024xf32>
    %eq3A = vector.broadcast %broadcast_in_dim3A : vector<1x1024xf32> to vector<1024x1024xf32>
    %eq3A_21 = arith.cmpf oeq, %sub3A, %eq3A : vector<1024x1024xf32>
    %jit3A = arith.constant 1.024000e+03 : f32
    %broadcast_in_dim3A_22 = vector.broadcast %jit3A : f32 to vector<1024x1024xf32>
    %select_n3A = arith.select %eq3A_21, %convert_element_type3A, %broadcast_in_dim3A_22 : vector<1024x1024xi1>, vector<1024x1024xf32>
    %reduce_min3A_23 = arith.constant dense<0x7F800000> : vector<1024xf32>
    %reduce_min3A_24 = vector.multi_reduction <minimumf>, %select_n3A, %reduce_min3A_23 [0] : vector<1024x1024xf32> to vector<1024xf32>
    %broadcast_in_dim3A_25 = vector.shape_cast %reduce_min3A_24 : vector<1024xf32> to vector<1x1024xf32>
    %convert_element_type3A_26 = arith.fptosi %broadcast_in_dim3A_25 : vector<1x1024xf32> to vector<1x1024xi32>
    %swap3A = arith.constant 0 : index
    %swap3A_27 = arith.constant 0 : index
    %swap3A_28 = arith.constant 0 : index
    %swap3A_29 = vector.load %arg6[%swap3A, %swap3A_27, %swap3A_28] : memref<1x1x1024xi32, #tpu.memory_space<vmem>>, vector<1x1x1024xi32>
    %swap3A_30 = vector.shape_cast %swap3A_29 : vector<1x1x1024xi32> to vector<1x1024xi32>
    %swap3A_31 = vector.shape_cast %convert_element_type3A_26 : vector<1x1024xi32> to vector<1x1x1024xi32>
    tpu.vector_store %arg6[%swap3A, %swap3A_27, %swap3A_28], %swap3A_31 {strides = array<i32>} : memref<1x1x1024xi32, #tpu.memory_space<vmem>>, vector<1x1x1024xi32>,
    %eq3A_32 = vector.broadcast %broadcast_in_dim3A_25 : vector<1x1024xf32> to vector<1024x1024xf32>
    %eq3A_33 = arith.cmpf oeq, %select_n3A, %eq3A_32 : vector<1024x1024xf32>
    %jit3A_34 = arith.constant 1.000000e+00 : f32
    %jit3A_35 = arith.constant 0.000000e+00 : f32
    %broadcast_in_dim3A_36 = vector.broadcast %jit3A_34 : f32 to vector<1024x1024xf32>
    %broadcast_in_dim3A_37 = vector.broadcast %jit3A_35 : f32 to vector<1024x1024xf32>
    %select_n3A_38 = arith.select %eq3A_33, %broadcast_in_dim3A_36, %broadcast_in_dim3A_37 : vector<1024x1024xi1>, vector<1024x1024xf32>
    %get3A_39 = arith.constant 0 : index
    %get3A_40 = arith.constant 0 : index
    %get3A_41 = vector.load %arg4[%get3A_39, %get3A_40] : memref<64x1024xf32, #tpu.memory_space<vmem>>, vector<64x1024xf32>
    %dot_general3A_42 = arith.constant dense<0.000000e+00> : vector<64x1024xf32>
    %dot_general3A_43 = tpu.matmul %get3A_41, %select_n3A_38, %dot_general3A_42 {dimension_numbers = #tpu.dot_dimension_numbers<[1], [0], [0], [1], [0, 0, 1, 1], [], []>, transpose_lhs_hint = false} : vector<64x1024xf32>, vector<1024x1024xf32>, vector<64x1024xf32> -> vector<64x1024xf32>
    %sub3A_44 = arith.subf %dot_general3A_43, %get3A_3 : vector<64x1024xf32>
    %add3A_45 = arith.addf %get3A_3, %sub3A_44 : vector<64x1024xf32>
    %swap3A_46 = arith.constant 0 : index
    %swap3A_47 = arith.constant 0 : index
    %swap3A_48 = arith.constant 0 : index
    %swap3A_49 = vector.load %arg7[%swap3A_46, %swap3A_47, %swap3A_48] : memref<1x64x1024xf32, #tpu.memory_space<vmem>>, vector<1x64x1024xf32>
    %swap3A_50 = vector.shape_cast %swap3A_49 : vector<1x64x1024xf32> to vector<64x1024xf32>
    %swap3A_51 = vector.shape_cast %add3A_45 : vector<64x1024xf32> to vector<1x64x1024xf32>
    tpu.vector_store %arg7[%swap3A_46, %swap3A_47, %swap3A_48], %swap3A_51 {strides = array<i32>} : memref<1x64x1024xf32, #tpu.memory_space<vmem>>, vector<1x64x1024xf32>,
    %eq3A_52 = arith.constant 0 : i32
    %eq3A_53 = arith.cmpi eq, %arg0, %eq3A_52 : i32
    %convert_element_type3A_54 = arith.extui %eq3A_53 : i1 to i32
    %cond3A = arith.constant 0 : i32
    %cond3A_55 = arith.cmpi ne, %convert_element_type3A_54, %cond3A : i32
    scf.if %cond3A_55 {
      %broadcast_in_dim3A_67 = arith.constant 0.000000e+00 : f32
      %broadcast_in_dim3A_68 = vector.broadcast %broadcast_in_dim3A_67 : f32 to vector<1x1xf32>
      %swap3A_69 = arith.constant 0 : index
      %swap3A_70 = arith.constant 0 : index
      %swap3A_71 = vector.load %arg8[%swap3A_69, %swap3A_70] : memref<1x1xf32, #tpu.memory_space<vmem>>, vector<1x1xf32>
      tpu.vector_store %arg8[%swap3A_69, %swap3A_70], %broadcast_in_dim3A_68 {strides = array<i32>} : memref<1x1xf32, #tpu.memory_space<vmem>>, vector<1x1xf32>,
    } else {
    }
    %get3A_56 = arith.constant 0 : index
    %get3A_57 = arith.constant 0 : index
    %get3A_58 = vector.load %arg8[%get3A_56, %get3A_57] : memref<1x1xf32, #tpu.memory_space<vmem>>, vector<1x1xf32>
    %reduce_sum3A = vector.shape_cast %broadcast_in_dim3A : vector<1x1024xf32> to vector<1x1x1024xf32>
    %reduce_sum3A_59 = arith.constant dense<0.000000e+00> : vector<1xf32>
    %reduce_sum3A_60 = vector.multi_reduction <add>, %reduce_sum3A, %reduce_sum3A_59 [1, 2] : vector<1x1x1024xf32> to vector<1xf32>
    %reduce_sum3A_61 = vector.shape_cast %reduce_sum3A_60 : vector<1xf32> to vector<1x1x1xf32>
    %reduce_sum3A_62 = vector.extract %reduce_sum3A_61[0, 0, 0] : f32 from vector<1x1x1xf32>
    %reshape3A = vector.broadcast %reduce_sum3A_62 : f32 to vector<1x1xf32>
    %add3A_63 = arith.addf %get3A_58, %reshape3A : vector<1x1xf32>
    %swap3A_64 = arith.constant 0 : index
    %swap3A_65 = arith.constant 0 : index
    %swap3A_66 = vector.load %arg8[%swap3A_64, %swap3A_65] : memref<1x1xf32, #tpu.memory_space<vmem>>, vector<1x1xf32>
    tpu.vector_store %arg8[%swap3A_64, %swap3A_65], %add3A_63 {strides = array<i32>} : memref<1x1xf32, #tpu.memory_space<vmem>>, vector<1x1xf32>,
    return
  }
  func.func @transform_0(%arg0: i32) -> (i32, i32, i32) {
    %c0_i32 = arith.constant 0 : i32
    %c0_i32_0 = arith.constant 0 : i32
    %c0_i32_1 = arith.constant 0 : i32
    return %arg0, %c0_i32, %c0_i32_0 : i32, i32, i32
  }
  func.func @transform_1(%arg0: i32) -> (i32, i32, i32) {
    %c0_i32 = arith.constant 0 : i32
    %c0_i32_0 = arith.constant 0 : i32
    %c0_i32_1 = arith.constant 0 : i32
    return %arg0, %c0_i32, %c0_i32_0 : i32, i32, i32
  }
  func.func @transform_2(%arg0: i32) -> (i32, i32) {
    %c0_i32 = arith.constant 0 : i32
    %c0_i32_0 = arith.constant 0 : i32
    %c0_i32_1 = arith.constant 0 : i32
    return %c0_i32, %c0_i32_0 : i32, i32
  }
  func.func @transform_3(%arg0: i32) -> (i32, i32) {
    %c0_i32 = arith.constant 0 : i32
    %c0_i32_0 = arith.constant 0 : i32
    %c0_i32_1 = arith.constant 0 : i32
    return %c0_i32, %c0_i32_0 : i32, i32
  }
  func.func @transform_4(%arg0: i32) -> (i32, i32) {
    %c0_i32 = arith.constant 0 : i32
    %c0_i32_0 = arith.constant 0 : i32
    %c0_i32_1 = arith.constant 0 : i32
    return %c0_i32, %c0_i32_0 : i32, i32
  }
  func.func @transform_5(%arg0: i32) -> (i32, i32, i32) {
    %c0_i32 = arith.constant 0 : i32
    %c0_i32_0 = arith.constant 0 : i32
    %c0_i32_1 = arith.constant 0 : i32
    return %arg0, %c0_i32, %c0_i32_0 : i32, i32, i32
  }
  func.func @transform_6(%arg0: i32) -> (i32, i32, i32) {
    %c0_i32 = arith.constant 0 : i32
    %c0_i32_0 = arith.constant 0 : i32
    %c0_i32_1 = arith.constant 0 : i32
    return %arg0, %c0_i32, %c0_i32_0 : i32, i32, i32
  }
  func.func @transform_7(%arg0: i32) -> (i32, i32) {
    %c0_i32 = arith.constant 0 : i32
    %c0_i32_0 = arith.constant 0 : i32
    %c0_i32_1 = arith.constant 0 : i32
    return %c0_i32, %c0_i32_0 : i32, i32
  }
}

</mosaic_0001>

<sc_bundles>
// kernel: kernel.4.cloned.1.call-start
scs
__scs_entry_jumppad:
0x0: {  	(pc) =	sbr.rel $0x88, $3  }
0x1: {  	(tag) =	ssettag $0x0;
	lr =	simm.s32 $0x1  }
0x2: {  	[smem:$0x3F9F] =	sst lr;
	_ =	strace $0xD0000000  }
0x3: {  	_ = 	snop  }
0x4: {  	_ = 	snop  }
0x5: {  	_ = 	snop  }
0x6: {  	_ = 	snop  }
0x7: {  	_ = 	snop  }
__scs_overlays_trampoline_lowered:
0x8: {  	[smem:$0x3FAE] =	sst s0  }
0x9: {  	[smem:$0x3FAF] =	sst s1  }
0xa: {  	[smem:$0x3FB0] =	sst s2  }
0xb: {  	[smem:$0x3FB1] =	sst s3  }
0xc: {  	[smem:$0x3FB2] =	sst s4  }
0xd: {  	[smem:$0x3FB3] =	sst s5  }
0xe: {  	[smem:$0x3FB4] =	sst s6  }
0xf: {  	[smem:$0x3FB5] =	sst s7  }
0x10: {  	[smem:$0x3FB6] =	sst s8  }
0x11: {  	[smem:$0x3FB7] =	sst s9;
	s0 =	simm.s32 @!p0 $0x0  }
0x12: {  	s1 =	sld [smem:$0x3F9D];
	s0 =	simm.s32 @p0 $0x1  }
0x13: {  	[smem:$0x3FB8] =	sst s0;
	s0 =	simm.s32 @!p1 $0x0  }
0x14: {  	s2 =	sld [smem:$0x3F9C];
	s0 =	simm.s32 @p1 $0x1  }
0x15: {  	[smem:$0x3FB9] =	sst s0;
	s0 =	simm.s32 @!p2 $0x0  }
0x16: {  	s3 =	sld [smem:$0x3FDB];
	s0 =	simm.s32 @p2 $0x1  }
0x17: {  	s4 =	simm.s32 $0x1BF5;
	[smem:$0x3FBB] =	sst s0  }
0x18: {  	s0 =	sld [smem:$0x3F9E];
	_ =	swait.ge [sflag:s4], $0x0  }
0x19: {  	s7 =	sld [smem:$0x3F9F]  }
0x1a: {  	s8 =	sadd.s32 $0xFFFFE003, lr  }
0x1b: {  	s9 =	sadd.s32 $0xFFFFFEF7, lr;
	s5 =	simm.s32 $0xFFFFFFFF;
	p2 =	slt.u32 s8, $0xFFFFF086  }
0x1c: {  	p1 =	slt.u32 s9, $0xF7A;
	s5 =	simm.s32 @!p2 $0x0  }
0x1d: {  	s5 =	simm.s32 @p1 $0x1;
	p0 =	seq.s32 s7, s2  }
0x1e: {  	s7 =	smul.u32 @!p0 $0xF7A, s2;
	p2 =	seq.s32 @!p0 s5, $0x0  }
0x1f: {  	s9 =	smul.u32 $0xF7A, s1;
	s8 =	simm.s32 @!p0 $0x1BF5;
	p2 =	por !p2, p0  }
0x20: {  	[sflag:s8] =	ssyncset.s32 @!p0 $0xFFFFF086;
	s6 =	sadd.s32 @!p0 s3, s7;
	s7 =	simm.s32 @!p0 $0x108  }
0x21: {  	s3 =	sadd.s32 s3, s9;
	s6 =	sadd.s32 @!p0 $0x88, s6;
	s7 =	simm.s32 @p2 $0x1082  }
0x22: {  	[simem:s7], [sflag:s8] =	dma.local @!p0 [hbm:s6], $0xF7A  }
0x23: {  	s9 =	sor.u32 $0xD0000000, s2;
	s6 =	simm.s32 $0x108;
	_ =	swait.ge @!p0 [sflag:s8], $0x0  }
0x24: {  	s3 =	sadd.s32 $0x88, s3;
	s6 =	simm.s32 @!p1 $0x1082;
	[sflag:s4] =	ssyncset.s32 $0xFFFFF086  }
0x25: {  	[simem:s6], [sflag:s4] =	dma.local [hbm:s3], $0xF7A  }
0x26: {  	[smem:$0x3F9F] =	sst s1;
	(tag) =	ssettag s2;
	_ =	strace s9  }
0x27: {  	s1 =	sld [smem:$0x3FAF]  }
0x28: {  	s2 =	sld [smem:$0x3FB0]  }
0x29: {  	s4 =	sld [smem:$0x3FB2]  }
0x2a: {  	p0 =	seq.s32 s5, $0x0;
	s5 =	sld [smem:$0x3FB3]  }
0x2b: {  	s6 =	sld [smem:$0x3FB4]  }
0x2c: {  	s7 =	sld [smem:$0x3FB5]  }
0x2d: {  	s3 =	simm.s32 $0x108;
	s8 =	sld [smem:$0x3FB6]  }
0x2e: {  	s3 =	simm.s32 @!p0 $0x1082;
	s9 =	sld [smem:$0x3FB7]  }
0x2f: {  	lr =	sadd.s32 s0, s3;
	s0 =	sld [smem:$0x3FAE]  }
0x30: {  	s3 =	sld [smem:$0x3FB1]  }
0x31: {  	[smem:$0x3FBA] =	sst s10  }
0x32: {  	s10 =	sld [smem:$0x3FB8];
	_ =	sdelay $0x3  }
0x33: {  	p0 =	seq.s32 s10, $0x1;
	s10 =	sld [smem:$0x3FBA];
	_ =	sdelay $0x3  }
0x34: {  	[smem:$0x3FBA] =	sst s10  }
0x35: {  	s10 =	sld [smem:$0x3FB9];
	_ =	sdelay $0x3  }
0x36: {  	p1 =	seq.s32 s10, $0x1;
	s10 =	sld [smem:$0x3FBA];
	_ =	sdelay $0x3  }
0x37: {  	[smem:$0x3FBA] =	sst s10  }
0x38: {  	s10 =	sld [smem:$0x3FBB]  }
0x39: {  	_ = 	snop;
	(pc) =	sbr.ind lr, $3  }
0x3a: {  	_ = 	snop  }
0x3b: {  	_ = 	snop  }
0x3c: {  	p2 =	seq.s32 s10, $0x1;
	s10 =	sld [smem:$0x3FBA]  }
0x3d: {  	_ =	shalt  }
0x3e: {  	_ =	shalt  }
0x3f: {  	_ =	shalt  }
0x40: {  	_ =	shalt  }
0x41: {  	_ =	shalt  }
0x42: {  	_ =	shalt  }
0x43: {  	_ =	shalt  }
0x44: {  	_ =	shalt  }
0x45: {  	_ =	shalt  }
0x46: {  	_ =	shalt  }
0x47: {  	_ =	shalt  }
0x48: {  	_ =	shalt  }
0x49: {  	_ =	shalt  }
0x4a: {  	_ =	shalt  }
0x4b: {  	_ =	shalt  }
0x4c: {  	_ =	shalt  }
0x4d: {  	_ =	shalt  }
0x4e: {  	_ =	shalt  }
0x4f: {  	_ =	shalt  }
0x50: {  	_ =	shalt  }
0x51: {  	_ =	shalt  }
0x52: {  	_ =	shalt  }
0x53: {  	_ =	shalt  }
0x54: {  	_ =	shalt  }
0x55: {  	_ =	shalt  }
0x56: {  	_ =	shalt  }
0x57: {  	_ =	shalt  }
0x58: {  	_ =	shalt  }
0x59: {  	_ =	shalt  }
0x5a: {  	_ =	shalt  }
0x5b: {  	_ =	shalt  }
0x5c: {  	_ =	shalt  }
0x5d: {  	_ =	shalt  }
0x5e: {  	_ =	shalt  }
0x5f: {  	_ =	shalt  }
0x60: {  	_ =	shalt  }
0x61: {  	_ =	shalt  }
0x62: {  	_ =	shalt  }
0x63: {  	_ =	shalt  }
0x64: {  	_ =	shalt  }
0x65: {  	_ =	shalt  }
0x66: {  	_ =	shalt  }
0x67: {  	_ =	shalt  }
0x68: {  	_ =	shalt  }
0x69: {  	_ =	shalt  }
0x6a: {  	_ =	shalt  }
0x6b: {  	_ =	shalt  }
0x6c: {  	_ =	shalt  }
0x6d: {  	_ =	shalt  }
0x6e: {  	_ =	shalt  }
0x6f: {  	_ =	shalt  }
0x70: {  	_ =	shalt  }
0x71: {  	_ =	shalt  }
0x72: {  	_ =	shalt  }
0x73: {  	_ =	shalt  }
0x74: {  	_ =	shalt  }
0x75: {  	_ =	shalt  }
0x76: {  	_ =	shalt  }
0x77: {  	_ =	shalt  }
0x78: {  	_ =	shalt  }
0x79: {  	_ =	shalt  }
0x7a: {  	_ =	shalt  }
0x7b: {  	_ =	shalt  }
0x7c: {  	_ =	shalt  }
0x7d: {  	_ =	shalt  }
0x7e: {  	_ =	shalt  }
0x7f: {  	_ =	shalt  }
0x80: {  	_ =	shalt  }
0x81: {  	_ =	shalt  }
0x82: {  	_ =	shalt  }
0x83: {  	_ =	shalt  }
0x84: {  	_ =	shalt  }
0x85: {  	_ =	shalt  }
0x86: {  	_ =	shalt  }
0x87: {  	_ =	shalt  }
.Lfunc_end0:
.L_simem_size_0:
called_computation_lowered:
.L_overlay_start_0:
0x88: {  	s2 =	sld [smem:$0x3FD9]  }
0x89: {  	s3 =	sld [smem:$0x3FFE];
	_ =	sdelay $0x1  }
0x8a: {  	s1 =	srdreg.scid  }
0x8b: {  	s0 =	sand.u32 $0x1, s1  }
0x8c: {  	s14 =	sshll.u32 s0, $0xA;
	s2 =	sadd.s32 s3, s2  }
0x8d: {  	s2 =	sadd.s32 s2, s14  }
0x8e: {  	[smem:$0x3FC6] =	sst s2  }
0x8f: {  	_ = 	snop  }
0x90: {  	s2 =	sld [smem:$0x3FD0];
	_ =	sdelay $0x2  }
0x91: {  	s15 =	simm.s32 $0xA;
	s4 =	simm.s32 $0x10  }
0x92: {  	[smem:s4], [sflag:s15] =	dma.local [hbm:s2], $0x1  }
0x93: {  	_ =	swait.eq [sflag:s15], $0x1  }
0x94: {  	[sflag:s15] =	ssyncset.done $0x0  }
0x95: {  	[sflag:s15] =	ssyncadd.s32 $0xFFFFFFFF  }
0x96: {  	s16 =	sld [smem:$0x12];
	(tm) =	ssettm $0x1  }
0x97: {  	s17 =	sld [smem:$0x3FFB];
	_ =	sdelay $0x3  }
0x98: {  	_ =	strace s17  }
0x99: {  	s3 =	sld [smem:$0x3FFC];
	_ =	sdelay $0x3  }
0x9a: {  	_ =	strace s3  }
0x9b: {  	s3 =	sld [smem:$0x3FFD];
	_ =	sdelay $0x3  }
0x9c: {  	_ =	strace s3  }
0x9d: {  	_ =	strace $0x8FFFFFFF  }
0x9e: {  	s18 =	sld [smem:$0x3FDB];
	_ =	sdelay $0x1  }
0x9f: {  	s19 =	simm.s32 $_scs_section_size  }
0xa0: {  	s5 =	simm.s32 $_size__tile_overlayer_lowered;
	s6 =	simm.s32 $_tile_overlayer_lowered  }
0xa1: {  	s22 =	simm.s32 $0x1BFF;
	s21 =	sshll.u32 s6, $0x1;
	s3 =	sadd.s32 s19, s18  }
0xa2: {  	s7 =	simm.s32 $0x0;
	s20 =	sshll.u32 s5, $0x1;
	s5 =	sadd.s32 s21, s3  }
0xa3: {  	[timem:s7], [sflag:s22] =	dma.local [hbm:s5], s20  }
0xa4: {  	_ =	swait.ge [sflag:s22], s20  }
0xa5: {  	s4 =	ssub.s32 $0x0, s20;
	[sflag:s22] =	ssyncset.done $0x0  }
0xa6: {  	[sflag:s22] =	ssyncadd.s32 s4;
	_ =	sdelay $0x1  }
0xa7: {  	s23 =	simm.s32 $0x1B8B  }
0xa8: {  	_ =	swait.ge [sflag:s23], $0x1  }
0xa9: {  	[sflag:s23] =	ssyncset.done $0x0  }
0xaa: {  	s25 =	simm.s32 $0x1B8E;
	s24 =	sld [smem:$0x3FFE];
	[sflag:s23] =	ssyncadd.s32 $0xFFFFFFFF  }
0xab: {  	s26 =	simm.s32 $execute0_lowered;
	[smem:$0x3FD2] =	sst s25  }
0xac: {  	s5 =	sshll.u32 s26, $0x1;
	_ =	strace $0x80000046;
	[dreg:$0x1] =	wrdreg $0xFFFFFFFF  }
0xad: {  	s28 =	simm.s32 $_size_execute0_lowered;
	s3 =	sadd.s32 s3, s5;
	[dreg:$0x0] =	wrdreg $0x0  }
0xae: {  	s5 =	sshll.u32 s28, $0x1;
	[dreg:$0x2] =	wrdreg s3  }
0xaf: {  	[dreg:$0x3] =	wrdreg s5  }
0xb0: {  	[dreg:$0x4] =	wrdreg $0xC0  }
0xb1: {  	_ =	task [dreg:s7], $0x5FFFF  }
0xb2: {  	[dreg:$0x1] =	wrdreg $0xFFFFFFFF  }
0xb3: {  	[dreg:$0x0] =	wrdreg $0x60  }
0xb4: {  	[dreg:$0x2] =	wrdreg s16  }
0xb5: {  	[dreg:$0x3] =	wrdreg s24  }
0xb6: {  	[dreg:$0x4] =	wrdreg $0x9  }
0xb7: {  	_ =	task.clear_ibuf [dreg:s7], $0x5FFFF;
	_ =	strace $0x90000046  }
0xb8: {  	s29 =	simm.s32 $0x9;
	_ =	strace $0x80000048  }
0xb9: {  	_ =	swait.ge [sflag:s29], $0x1  }
0xba: {  	[sflag:s29] =	ssyncadd.s32 $0xFFFFFFFF  }
0xbb: {  	_ =	strace $0x90000048  }
0xbc: {  	_ =	sfence  }
0xbd: {  	s30 =	sld [smem:$0x0];
	_ =	sdelay $0x2  }
0xbe: {  	s31 =	sshll.u32 s1, $0xD;
	s1 =	sshrl.u32 s1, $0x2  }
0xbf: {  	s3 =	sand.u32 $0x4000, s31;
	s1 =	sadd.s32 s1, s30  }
0xc0: {  	s0 =	sor.u32 s3, s0;
	s1 =	sshll.u32 s1, $0x11  }
0xc1: {  	s0 =	sor.u32 s1, s0  }
0xc2: {  	s0 =	sadd.s32 $0x8F2B, s0  }
0xc3: {  	[sflag:s0] =	ssyncadd.remote.s32 $0x1  }
0xc4: {  	_ =	sfence.sel $0xFFFF  }
0xc5: {  	[dreg:$0x0] =	wrdreg $0xFFFFFFFF;
	(pc) =	sbr.abs _section_cstart, $3  }
0xc6: {  	[dreg:$0x1] =	wrdreg $0xFFFFFFFF  }
0xc7: {  	_ =	task.clear_ibuf [dreg:s7], $0x2FFFF;
	_ =	strace $0x9FFFFFFF  }
0xc8: {  	(tm) =	ssettm $0x7FFFFFFF  }
0xc9: {  	_ =	shalt  }
tec
execute0_lowered:
.L_overlay_start_1:
0x0: {  	(tag) =	ssettag $0x1  }
0x1: {  	s5 =	rddreg [dreg:$0x0]  }
0x2: {  	s3 =	rddreg [dreg:$0x1]  }
0x3: {  	s0 =	rddreg [dreg:$0x2];
	s2 =	simm.s32 $0x0;
	s4 =	srdreg.scid  }
0x4: {  	s1 =	stileid.u32;
	s16 =	simm.s32 $0x3;
	s17 =	simm.s32 $0x1  }
0x5: {  	s18 =	simm.s32 $0x80;
	s19 =	simm.s32 $0x10200;
	s20 =	simm.s32 $0x10400  }
0x6: {  	s21 =	simm.s32 $0x10280;
	s22 =	simm.s32 $0x10300;
	s23 =	simm.s32 $0x10380  }
0x7: {  	s24 =	simm.s32 $0x2;
	s25 =	simm.s32 $0x0;
	[smem:$0x7FF] =	sst s2  }
0x8: {  	s14 =	sand.u32 $0x1, s4;
	s31 =	sshll.u32 s1, $0x1;
	s3 =	sadd.s32 $0x200, s3  }
0x9: {  	s15 =	sshll.u32 s1, $0xA;
	_ =	strace $0x80000047;
	s4 =	sor.u32 s14, s31  }
0xa: {  	s6 =	ssub.s32 $0x2, s14;
	s14 =	sshll.u32 s14, $0x9;
	s7 =	sshll.u32 s4, $0x10  }
0xb: {  	s8 =	sshrl.u32 s6, $0x1;
	s9 =	sshll.u32 s4, $0x6;
	s14 =	sor.u32 s14, s15  }
0xc: {  	s15 =	simm.s32 $0x10000;
	s4 =	sadd.s32 s3, s7;
	s13 =	ssub.s32 s6, s8  }
0xd: {  	s5 =	sadd.s32 s5, s9;
	s6 =	sadd.s32 $0x2000, s4;
	s7 =	sadd.s32 $0x4000, s4  }
0xe: {  	v1 =	vlaneseq.u32;
	s8 =	sadd.s32 $0x6000, s4;
	s9 =	sadd.s32 $0x8000, s4;
	s10 =	sadd.s32 $0xA000, s4  }
0xf: {  	v0 =	vimm.f32 $0.0e+00;
	v2 =	vimm.f32 $1.000000000e+00;
	v1 =	vmul.u32 $0x400, v1;
	s11 =	sadd.s32 $0xC000, s4;
	s12 =	sadd.s32 $0xE000, s4;
	s13 =	smax.u32 s13, $0x1  }
.LBB2_1:
0x10: {  	[tilespmem:s15], [sflag:$0x3] =	stream.linear.gather [hbm4b:s5+s2], $0x200, $0x38;
	[tilespmem:$0x10480] =	vst v63  }
0x11: {  	_ =	swait.ge [sflag:s16], $0x200  }
0x12: {  	[sflag:s16] =	ssyncset.done $0x0  }
0x13: {  	s26 =	simm.s32 $0x40;
	s28 =	simm.s32 $0x0;
	[sflag:s16] =	ssyncadd.s32 $0xFFFFFE00  }
.LBB2_2:
0x14: {  	p0 =	sne.s32 s26, $0x3FFC0;
	[tilespmem:s28+$0x0] =	vst v0;
	s28 =	smov.u32 s26;
	s26 =	sadd.s32 $0x40, s26  }
.Ltmp0:
0x15: {  	(pc) =	sbr.rel @p0 .LBB2_2-.Ltmp0, $2  }
0x16: {  	_ =	sdelay $0x2  }
0x17: {  	s28 =	sshra.s32 s28, $0x2  }
0x18: {  	[tilespmem:s28+$0x0] =	vst v0;
	s26 =	simm.s32 $0x0  }
0x19: {  	[hbm4b:s4+s26] =	stream.linear.scatter [tilespmem:s26], [sflag:$0x1], $0x10000, $0x38;
	[tilespmem:$0x10480] =	vst v63  }
0x1a: {  	_ = 	snop  }
0x1b: {  	[hbm4b:s6+s26] =	stream.linear.scatter [tilespmem:s26], [sflag:$0x1], $0x10000, $0x38;
	[tilespmem:$0x10480] =	vst v63  }
0x1c: {  	_ = 	snop  }
0x1d: {  	[hbm4b:s7+s26] =	stream.linear.scatter [tilespmem:s26], [sflag:$0x1], $0x10000, $0x38;
	[tilespmem:$0x10480] =	vst v63  }
0x1e: {  	_ = 	snop  }
0x1f: {  	[hbm4b:s8+s26] =	stream.linear.scatter [tilespmem:s26], [sflag:$0x1], $0x10000, $0x38;
	[tilespmem:$0x10480] =	vst v63  }
0x20: {  	_ = 	snop  }
0x21: {  	[hbm4b:s9+s26] =	stream.linear.scatter [tilespmem:s26], [sflag:$0x1], $0x10000, $0x38;
	[tilespmem:$0x10480] =	vst v63  }
0x22: {  	_ = 	snop  }
0x23: {  	[hbm4b:s10+s26] =	stream.linear.scatter [tilespmem:s26], [sflag:$0x1], $0x10000, $0x38;
	[tilespmem:$0x10480] =	vst v63  }
0x24: {  	_ = 	snop  }
0x25: {  	[hbm4b:s11+s26] =	stream.linear.scatter [tilespmem:s26], [sflag:$0x1], $0x10000, $0x38;
	[tilespmem:$0x10480] =	vst v63  }
0x26: {  	s28 =	simm.s32 $0x0  }
0x27: {  	[hbm4b:s12+s26] =	stream.linear.scatter [tilespmem:s26], [sflag:$0x1], $0x10000, $0x38;
	[tilespmem:$0x10480] =	vst v63  }
0x28: {  	v3 =	vld [tilespmem:s28+$0x10000]  }
0x29: {  	s28 =	sadd.s32 $0x0, s14  }
0x2a: {  	v4 =	vmov s28  }
0x2b: {  	s28 =	sand.u32 $0x600, s26;
	v4 =	vshll.u32 v4, $0xA  }
0x2c: {  	s29 =	sand.u32 $0x70, s26;
	s28 =	sshrl.u32 s28, $0x2;
	v4 =	vor.u32 v1, v4  }
0x2d: {  	s31 =	sor.u32 s29, s28;
	v3 =	vadd.s32 v4, v3  }
0x2e: {  	s30 =	simm.s32 $0x10;
	s28 =	simm.s32 $0x40;
	s29 =	simm.s32 $0x80;
	[tilespmem:s31+$0x10200] =	vst v3  }
.LBB2_4:
0x2f: {  	p0 =	sne.s32 s29, $0x7C0;
	v3 =	vld [tilespmem:s30+$0x10000];
	s26 =	sadd.s32 $0x10, s26  }
0x30: {  	s30 =	sadd.s32 s26, s14  }
.Ltmp1:
0x31: {  	v4 =	vmov s30;
	(pc) =	sbr.rel @p0 .LBB2_4-.Ltmp1, $4  }
0x32: {  	s30 =	sand.u32 $0x600, s28;
	s28 =	smov.u32 s29;
	v4 =	vshll.u32 v4, $0xA  }
0x33: {  	s31 =	sand.u32 $0x70, s26;
	s30 =	sshrl.u32 s30, $0x2;
	v4 =	vor.u32 v1, v4  }
0x34: {  	s31 =	sor.u32 s31, s30;
	v3 =	vadd.s32 v4, v3  }
0x35: {  	s29 =	sadd.s32 $0x40, s29;
	s30 =	sshra.s32 s28, $0x2;
	[tilespmem:s31+$0x10200] =	vst v3  }
0x36: {  	v3 =	vld [tilespmem:s30+$0x10000];
	s26 =	sadd.s32 $0x10, s26  }
0x37: {  	s29 =	sadd.s32 s26, s14  }
0x38: {  	v4 =	vmov s29  }
0x39: {  	s28 =	sand.u32 $0x600, s28;
	v4 =	vshll.u32 v4, $0xA  }
0x3a: {  	s26 =	sand.u32 $0x70, s26;
	s28 =	sshrl.u32 s28, $0x2;
	v4 =	vor.u32 v1, v4  }
0x3b: {  	s26 =	sor.u32 s26, s28;
	v3 =	vadd.s32 v4, v3  }
0x3c: {  	[tilespmem:s26+$0x10200] =	vst v3  }
0x3d: {  	[tilespmem:$0x10400] =	vst v2  }
0x3e: {  	[tilespmem:$0x10410] =	vst v2  }
0x3f: {  	[tilespmem:$0x10420] =	vst v2  }
0x40: {  	[tilespmem:$0x10430] =	vst v2  }
0x41: {  	[tilespmem:$0x10440] =	vst v2  }
0x42: {  	[tilespmem:$0x10450] =	vst v2  }
0x43: {  	[tilespmem:$0x10460] =	vst v2  }
0x44: {  	[tilespmem:$0x10470] =	vst v2  }
0x45: {  	_ =	swait.ge [sflag:s17], $0x10000  }
0x46: {  	[sflag:s17] =	ssyncset.done $0x0  }
0x47: {  	[sflag:s17] =	ssyncadd.s32 $0xFFFF0000  }
0x48: {  	_ =	swait.ge [sflag:s17], $0x10000  }
0x49: {  	[sflag:s17] =	ssyncset.done $0x0  }
0x4a: {  	[sflag:s17] =	ssyncadd.s32 $0xFFFF0000  }
0x4b: {  	_ =	swait.ge [sflag:s17], $0x10000  }
0x4c: {  	[sflag:s17] =	ssyncset.done $0x0  }
0x4d: {  	[sflag:s17] =	ssyncadd.s32 $0xFFFF0000  }
0x4e: {  	_ =	swait.ge [sflag:s17], $0x10000  }
0x4f: {  	[sflag:s17] =	ssyncset.done $0x0  }
0x50: {  	[sflag:s17] =	ssyncadd.s32 $0xFFFF0000  }
0x51: {  	_ =	swait.ge [sflag:s17], $0x10000  }
0x52: {  	[sflag:s17] =	ssyncset.done $0x0  }
0x53: {  	[sflag:s17] =	ssyncadd.s32 $0xFFFF0000  }
0x54: {  	_ =	swait.ge [sflag:s17], $0x10000  }
0x55: {  	[sflag:s17] =	ssyncset.done $0x0  }
0x56: {  	[sflag:s17] =	ssyncadd.s32 $0xFFFF0000  }
0x57: {  	_ =	swait.ge [sflag:s17], $0x10000  }
0x58: {  	[sflag:s17] =	ssyncset.done $0x0  }
0x59: {  	[sflag:s17] =	ssyncadd.s32 $0xFFFF0000  }
0x5a: {  	_ =	swait.ge [sflag:s17], $0x10000  }
0x5b: {  	[sflag:s17] =	ssyncset.done $0x0  }
0x5c: {  	[sflag:s17] =	ssyncadd.s32 $0xFFFF0000  }
0x5d: {  	[hbm4b:s3+s18] =	stream.indirect.scatter [tilespmem:s20], [sflag:$0x2], $0x1, s19, s18, $0xb8;
	[tilespmem:$0x10480] =	vst v63  }
0x5e: {  	_ = 	snop  }
0x5f: {  	[hbm4b:s3+s18] =	stream.indirect.scatter [tilespmem:s20], [sflag:$0x2], $0x1, s21, s18, $0xb8;
	[tilespmem:$0x10480] =	vst v63  }
0x60: {  	_ = 	snop  }
0x61: {  	[hbm4b:s3+s18] =	stream.indirect.scatter [tilespmem:s20], [sflag:$0x2], $0x1, s22, s18, $0xb8;
	[tilespmem:$0x10480] =	vst v63  }
0x62: {  	_ = 	snop  }
0x63: {  	[hbm4b:s3+s18] =	stream.indirect.scatter [tilespmem:s20], [sflag:$0x2], $0x1, s23, s18, $0xb8;
	[tilespmem:$0x10480] =	vst v63  }
0x64: {  	_ =	swait.ge [sflag:s24], $0x80  }
0x65: {  	[sflag:s24] =	ssyncset.done $0x0  }
0x66: {  	[sflag:s24] =	ssyncadd.s32 $0xFFFFFF80  }
0x67: {  	_ =	swait.ge [sflag:s24], $0x80  }
0x68: {  	[sflag:s24] =	ssyncset.done $0x0  }
0x69: {  	s25 =	sadd.s32 $0x1, s25;
	[sflag:s24] =	ssyncadd.s32 $0xFFFFFF80  }
0x6a: {  	p0 =	sne.s32 s25, s13;
	_ =	swait.ge [sflag:s24], $0x80  }
.Ltmp2:
0x6b: {  	[sflag:s24] =	ssyncset.done $0x0;
	(pc) =	sbr.rel @p0 .LBB2_1-.Ltmp2, $4  }
0x6c: {  	[sflag:s24] =	ssyncadd.s32 $0xFFFFFF80  }
0x6d: {  	_ =	swait.ge [sflag:s24], $0x80  }
0x6e: {  	[sflag:s24] =	ssyncset.done $0x0  }
0x6f: {  	[sflag:s24] =	ssyncadd.s32 $0xFFFFFF80  }
0x70: {  	_ =	sfence.sel $0x180000  }
0x71: {  	[bflag:$0x0] =	sbarrier.arrive $0xFFFF  }
0x72: {  	p0 =	sne.s32 s1, $0x0;
	_ =	strace $0x90000047  }
0x73: {  	s0 =	sadd.s32 @!p0 $0x100000, s0;
	[bflag:$0x2] =	sbarrier.arrive $0xFFFF  }
0x74: {  	[sflag:s0] =	ssyncadd.tile.s32 @!p0 $0x1;
	_ =	shalt  }
.Lfunc_end2:
_tile_overlayer_lowered:
.L_overlay_start_2:
0x75: {  	(tag) =	ssettag $0x2  }
0x76: {  	s0 =	rddreg [dreg:$0x0];
	s2 =	stileid.u32  }
0x77: {  	s1 =	rddreg [dreg:$0x1];
	p0 =	sne.s32 s2, $0x0  }
0x78: {  	s3 =	rddreg [dreg:$0x2];
	[bflag:$0x3] =	sbarrier.arrive $0xFFFF;
	s2 =	simm.s32 @!p0 $0x1C03  }
0x79: {  	[timem:s3], [sflag:s2] =	dma.local @!p0 [hbm:s0], s1  }
0x7a: {  	s0 =	simm.s32 @!p0 $0x3  }
0x7b: {  	_ =	swait.ge @!p0 [sflag:s0], s1  }
0x7c: {  	s1 =	ssub.s32 @!p0 $0x0, s1;
	[sflag:s0] =	ssyncset.done @!p0 $0x0  }
0x7d: {  	[sflag:s0] =	ssyncadd.s32 @!p0 s1  }
0x7e: {  	[bflag:$0x3] =	sbarrier.arrive $0xFFFF  }
0x7f: {  	_ =	shalt  }

</sc_bundles>
